<compile_context>
chip_gen: v7x
topology: tpu7x:2x2x1
jax: 0.10.2.dev20260603
libtpu: 0.0.44.dev20260713+nightly
codegen_flags: <defaults>
</compile_context>

<pallas_src>
import functools
import jax
import jax.numpy as jnp
from jax import lax
from jax.experimental import pallas as pl
from jax.experimental.pallas import tpu as pltpu
from jax.experimental.pallas import tpu_sc as plsc

_INF = 1024.0
_TPAD = 136
_CPAD = 256


def _bfs_closed(adj, occ, T):
    Af = jnp.where(adj, 1.0, 0.0).astype(jnp.bfloat16)
    Bf = jnp.where(adj & (occ > 0.5), 1.0, 0.0).astype(jnp.bfloat16)
    dist0 = jnp.where(adj, 1.0, _INF)

    def cond(c):
        d, changed, _, _ = c
        return (d < T) & (changed > 0.5)

    def body(c):
        d, _, F, dist = c
        G = lax.dot_general(Bf, F, (((1,), (0,)), ((), ())),
                            preferred_element_type=jnp.float32)
        Fn = jnp.minimum(jnp.maximum(F, G.astype(jnp.bfloat16)),
                         jnp.bfloat16(1.0))
        isinf = jnp.floor(dist * (1.0 / _INF))
        newlyf = isinf * Fn.astype(jnp.float32)
        changed = jnp.max(newlyf)
        dist = dist + newlyf * ((d + 1).astype(jnp.float32) - _INF)
        return d + 1, changed, Fn, dist

    _, _, _, dist = lax.while_loop(
        cond, body, (jnp.int32(1), jnp.float32(1.0), Af, dist0))
    return dist


def _tc_body(mono_col_ref, tb_ref, a2t_ref, dext_ref, ridx_ref, cidx_ref):
    N = a2t_ref.shape[1]
    T = a2t_ref.shape[2]
    b = pl.program_id(0)
    x = a2t_ref[0]
    tb = tb_ref[0]
    mono_col = mono_col_ref[0]

    lane = lax.broadcasted_iota(jnp.int32, (N, T), 1)
    m = jnp.max(x, axis=1, keepdims=True)
    idx = jnp.min(jnp.where(x == m, lane, T), axis=1, keepdims=True)
    P = (lane == idx).astype(jnp.bfloat16)

    gly_col = (mono_col != -1)
    Pg = P * gly_col.astype(jnp.bfloat16)
    occ = jnp.max(Pg.astype(jnp.float32), axis=0, keepdims=True)

    D = _bfs_closed(tb > 0.0, occ, T)
    Dint = jnp.where(D > 500.0, -1, D.astype(jnp.int32))

    dext_ref[0] = jnp.full((_TPAD, _CPAD), -1, jnp.int32)
    dext_ref[0, 0:T, 0:T] = Dint

    gidx = jnp.where(gly_col, idx, T)
    ridx_ref[0] = b * _TPAD + gidx
    cidx_ref[0] = gidx


def _make_sc_expand(n_rows, n_cols, rows_per_w, tpad_total):
    mesh = plsc.VectorSubcoreMesh(core_axis_name="c", subcore_axis_name="s")
    info = plsc.get_sparse_core_info()
    nc = info.num_cores
    chunks = n_cols // 16

    @functools.partial(
        pl.kernel, mesh=mesh,
        compiler_params=pltpu.CompilerParams(needs_layout_passes=False),
        out_type=jax.ShapeDtypeStruct((n_rows * n_cols,), jnp.int32),
        scratch_types=[
            pltpu.VMEM((rows_per_w,), jnp.int32),
            pltpu.VMEM((rows_per_w, _CPAD), jnp.int32),
            pltpu.VMEM((rows_per_w * _CPAD,), jnp.int32),
            pltpu.VMEM((n_cols,), jnp.int32),
            pltpu.VMEM((rows_per_w * n_cols,), jnp.int32),
            pltpu.SemaphoreType.DMA,
        ],
    )
    def sc_expand(dext_hbm, ridx_hbm, cidx_hbm, out_hbm,
                  ridx_v, rows_v, rowsflat_v, cidx_v, outblk_v, sem):
        wid = lax.axis_index("s") * nc + lax.axis_index("c")
        base = wid * rows_per_w
        batch = base // 512
        pltpu.sync_copy(ridx_hbm.at[pl.ds(base, rows_per_w)], ridx_v)
        pltpu.sync_copy(cidx_hbm.at[pl.ds(batch * 512, n_cols)], cidx_v)
        pltpu.async_copy(dext_hbm.at[ridx_v], rows_v, sem).wait()

        zeros16 = jnp.zeros((16,), jnp.int32)
        lane0 = lax.iota(jnp.int32, 16) == 0

        @plsc.parallel_loop(0, rows_per_w * chunks, unroll=4)
        def _(it):
            r = it // chunks
            c = it % chunks
            rvec = zeros16 + r
            idxv = cidx_v[pl.ds(c * 16, 16)]
            vals = plsc.load_gather(rows_v, [rvec, idxv])
            outblk_v[pl.ds(it * 16, 16)] = vals

        @plsc.parallel_loop(0, rows_per_w, unroll=2)
        def _(r):
            rvec = zeros16 + r
            dpos = zeros16 + (r * n_cols + (base + r) % 512)
            plsc.store_scatter(outblk_v, [dpos], zeros16, mask=lane0)
        pltpu.sync_copy(outblk_v, out_hbm.at[pl.ds(base * n_cols,
                                                   rows_per_w * n_cols)])

    return sc_expand


def kernel(atom_pad_mask, atom_mono_idx, token_bonds, atom_to_token):
    B, N = atom_pad_mask.shape
    T = token_bonds.shape[1]
    tb = jnp.squeeze(token_bonds, -1)
    mono_col = atom_mono_idx.reshape(B, N, 1)

    dext, ridx, cidx = pl.pallas_call(
        _tc_body,
        grid=(B,),
        in_specs=[
            pl.BlockSpec((1, N, 1), lambda b: (b, 0, 0)),
            pl.BlockSpec((1, T, T), lambda b: (b, 0, 0)),
            pl.BlockSpec((1, N, T), lambda b: (b, 0, 0)),
        ],
        out_specs=[
            pl.BlockSpec((1, _TPAD, _CPAD), lambda b: (b, 0, 0)),
            pl.BlockSpec((1, N, 1), lambda b: (b, 0, 0)),
            pl.BlockSpec((1, N, 1), lambda b: (b, 0, 0)),
        ],
        out_shape=[
            jax.ShapeDtypeStruct((B, _TPAD, _CPAD), jnp.int32),
            jax.ShapeDtypeStruct((B, N, 1), jnp.int32),
            jax.ShapeDtypeStruct((B, N, 1), jnp.int32),
        ],
    )(mono_col, tb, atom_to_token)

    n_rows = B * N
    rows_per_w = n_rows // 32
    sc_expand = _make_sc_expand(n_rows, N, rows_per_w, B * _TPAD)
    out = sc_expand(dext.reshape(B * _TPAD, _CPAD),
                    ridx.reshape(n_rows),
                    cidx.reshape(n_rows))
    return out.reshape(B, N, N)

# --- scband reference (transcript-rebuilt; emitter-appended) ---
"""Pipeline reference for scband-glycan-atom-topological-encoder-22101901705608 (READ-ONLY COPY).

The authoritative reference and input builder live on the scoring server;
editing this copy changes nothing except your own understanding.
"""

import jax, jax.numpy as jnp
import numpy as np

B, N_ATOM, N_TOKEN = 2, 512, 128

def setup_inputs(seed: int = 0) -> dict:
    key = jax.random.key(seed)
    k1, k2, k3 = jax.random.split(key, 3)
    atom_pad_mask = jnp.ones((B, N_ATOM), dtype=bool)
    atom_mono_idx = jax.random.randint(k1, (B, N_ATOM), 0, 32, dtype=jnp.int32)
    token_bonds = jax.random.normal(k2, (B, N_TOKEN, N_TOKEN, 1), dtype=jnp.float32)
    atom_to_token = jax.random.uniform(k3, (B, N_ATOM, N_TOKEN), dtype=jnp.float32)
    return {"atom_pad_mask": atom_pad_mask, "atom_mono_idx": atom_mono_idx, "token_bonds": token_bonds, "atom_to_token": atom_to_token}

def reference(atom_pad_mask, atom_mono_idx, token_bonds, atom_to_token):
    INF_DIST = -1
    Bb, N = atom_pad_mask.shape
    is_gly = atom_mono_idx != -1
    tb = jnp.squeeze(token_bonds, -1) > 0
    a2t = jnp.argmax(atom_to_token, axis=-1)
    batch_idx = jnp.arange(Bb)[:, None, None]
    adj = tb[batch_idx, a2t[:, :, None], a2t[:, None, :]]
    gmask = is_gly[:, :, None] & is_gly[:, None, :]
    adj = adj & gmask
    dist = jnp.where(adj, jnp.float32(1.0), jnp.float32(jnp.inf))
    eye = jnp.eye(N, dtype=bool)[None]
    dist = jnp.where(eye & is_gly[:, :, None], jnp.float32(0.0), dist)
    def body(k, d):
        col = jax.lax.dynamic_slice_in_dim(d, k, 1, axis=2)
        row = jax.lax.dynamic_slice_in_dim(d, k, 1, axis=1)
        return jnp.minimum(d, col + row)
    dist = jax.lax.fori_loop(0, N, body, dist)
    out = jnp.where(jnp.isinf(dist), INF_DIST, dist).astype(jnp.int32)
    out = jnp.where(gmask, out, INF_DIST)
    out = jnp.where(eye, 0, out)
    return out

if __name__ == "__main__":
    import jax
    _d = setup_inputs()
    print(jax.jit(kernel)(*tuple(_d.values())))

</pallas_src>

<mosaic_0001>
#map = affine_map<(d0, d1) -> (0, 0)>
#map1 = affine_map<(d0, d1) -> (0)>
module attributes {stable_mosaic.version = 14 : i64} {
  func.func @sc_expand(%arg0: i32, %arg1: i32, %arg2: memref<272x256xi32, #tpu.memory_space<hbm>>, %arg3: memref<1024xi32, #tpu.memory_space<hbm>>, %arg4: memref<1024xi32, #tpu.memory_space<hbm>>, %arg5: memref<524288xi32, #tpu.memory_space<hbm>>, %arg6: memref<32xi32, #tpu.memory_space<vmem>>, %arg7: memref<32x256xi32, #tpu.memory_space<vmem>>, %arg8: memref<8192xi32, #tpu.memory_space<vmem>>, %arg9: memref<512xi32, #tpu.memory_space<vmem>>, %arg10: memref<16384xi32, #tpu.memory_space<vmem>>, %arg11: memref<!tpu.dma_semaphore, #tpu.memory_space<semaphore_mem>>) attributes {dimension_semantics = [#tpu.dimension_semantics<core_parallel>, #tpu.dimension_semantics<subcore_parallel>], iteration_bounds = array<i64: 2, 16>, scalar_prefetch = 0 : i64, scratch_operands = 6 : i64, tpu.core_type = #tpu.core_type<sc_vector_subcore>, window_params = [{transform_indices = #map}, {transform_indices = #map1}, {transform_indices = #map1}, {transform_indices = #map1}]} {
    %mul3A = arith.constant 2 : i32
    %mul3A_0 = arith.muli %arg1, %mul3A : i32
    %add3A = arith.addi %mul3A_0, %arg0 : i32
    %mul3A_1 = arith.constant 32 : i32
    %mul3A_2 = arith.muli %add3A, %mul3A_1 : i32
    %jit3A = arith.constant 512 : i32
    %div3A = arith.divsi %mul3A_2, %jit3A : i32
    %sign3A = arith.constant 0 : i32
    %sign3A_3 = arith.cmpi sgt, %mul3A_2, %sign3A : i32
    %sign3A_4 = arith.extui %sign3A_3 : i1 to i32
    %sign3A_5 = arith.constant 0 : i32
    %sign3A_6 = arith.cmpi slt, %mul3A_2, %sign3A_5 : i32
    %sign3A_7 = arith.extui %sign3A_6 : i1 to i32
    %sign3A_8 = arith.subi %sign3A_4, %sign3A_7 : i32
    %sign3A_9 = arith.constant 0 : i32
    %sign3A_10 = arith.cmpi sgt, %jit3A, %sign3A_9 : i32
    %sign3A_11 = arith.extui %sign3A_10 : i1 to i32
    %sign3A_12 = arith.constant 0 : i32
    %sign3A_13 = arith.cmpi slt, %jit3A, %sign3A_12 : i32
    %sign3A_14 = arith.extui %sign3A_13 : i1 to i32
    %sign3A_15 = arith.subi %sign3A_11, %sign3A_14 : i32
    %ne3A = arith.cmpi ne, %sign3A_8, %sign3A_15 : i32
    %rem3A = arith.remsi %mul3A_2, %jit3A : i32
    %ne3A_16 = arith.constant 0 : i32
    %ne3A_17 = arith.cmpi ne, %rem3A, %ne3A_16 : i32
    %and3A = arith.andi %ne3A, %ne3A_17 : i1
    %sub3A = arith.constant 1 : i32
    %sub3A_18 = arith.subi %div3A, %sub3A : i32
    %select_n3A = arith.select %and3A, %sub3A_18, %div3A : i32
    "tpu.region"() ({
      %run_scoped3A = tpu.sem_alloc : memref<!tpu.dma_semaphore, #tpu.memory_space<semaphore_mem>>
      %dma_start3A_35 = tpu.memref_slice %arg3[%mul3A_2] : memref<1024xi32, #tpu.memory_space<hbm>> -> memref<32xi32, #tpu.memory_space<hbm>>
      %dma_start3A_36 = tpu.memref_slice %arg3[%mul3A_2] : memref<1024xi32, #tpu.memory_space<hbm>> -> memref<32xi32, #tpu.memory_space<hbm>>
      tpu.enqueue_dma source(%dma_start3A_36 : memref<32xi32, #tpu.memory_space<hbm>>) target(%arg6 : memref<32xi32, #tpu.memory_space<vmem>>) target_semaphore(%run_scoped3A : memref<!tpu.dma_semaphore, #tpu.memory_space<semaphore_mem>>)
      %dma_wait3A_37 = tpu.memref_slice %arg3[%mul3A_2] : memref<1024xi32, #tpu.memory_space<hbm>> -> memref<32xi32, #tpu.memory_space<hbm>>
      %dma_wait3A_38 = tpu.memref_slice %arg3[%mul3A_2] : memref<1024xi32, #tpu.memory_space<hbm>> -> memref<32xi32, #tpu.memory_space<hbm>>
      tpu.wait_dma2 semaphore(%run_scoped3A : memref<!tpu.dma_semaphore, #tpu.memory_space<semaphore_mem>>) src(%dma_wait3A_38 : memref<32xi32, #tpu.memory_space<hbm>>) dst(%arg6 : memref<32xi32, #tpu.memory_space<vmem>>)
      tpu.yield
    }) : () -> ()
    %mul3A_19 = arith.constant 512 : i32
    %mul3A_20 = arith.muli %select_n3A, %mul3A_19 : i32
    "tpu.region"() ({
      %run_scoped3A = tpu.sem_alloc : memref<!tpu.dma_semaphore, #tpu.memory_space<semaphore_mem>>
      %dma_start3A_35 = tpu.memref_slice %arg4[%mul3A_20] : memref<1024xi32, #tpu.memory_space<hbm>> -> memref<512xi32, #tpu.memory_space<hbm>>
      %dma_start3A_36 = tpu.memref_slice %arg4[%mul3A_20] : memref<1024xi32, #tpu.memory_space<hbm>> -> memref<512xi32, #tpu.memory_space<hbm>>
      tpu.enqueue_dma source(%dma_start3A_36 : memref<512xi32, #tpu.memory_space<hbm>>) target(%arg9 : memref<512xi32, #tpu.memory_space<vmem>>) target_semaphore(%run_scoped3A : memref<!tpu.dma_semaphore, #tpu.memory_space<semaphore_mem>>)
      %dma_wait3A_37 = tpu.memref_slice %arg4[%mul3A_20] : memref<1024xi32, #tpu.memory_space<hbm>> -> memref<512xi32, #tpu.memory_space<hbm>>
      %dma_wait3A_38 = tpu.memref_slice %arg4[%mul3A_20] : memref<1024xi32, #tpu.memory_space<hbm>> -> memref<512xi32, #tpu.memory_space<hbm>>
      tpu.wait_dma2 semaphore(%run_scoped3A : memref<!tpu.dma_semaphore, #tpu.memory_space<semaphore_mem>>) src(%dma_wait3A_38 : memref<512xi32, #tpu.memory_space<hbm>>) dst(%arg9 : memref<512xi32, #tpu.memory_space<vmem>>)
      tpu.yield
    }) : () -> ()
    %dma_start3A = arith.constant 0 : i32
    %dma_start3A_21 = arith.constant 0 : i32
    %dma_start3A_22 = tpu.memref_slice %arg2[%dma_start3A, %dma_start3A_21] : memref<272x256xi32, #tpu.memory_space<hbm>> -> memref<272x256xi32, #tpu.memory_space<hbm>>
    tpu.enqueue_indirect_dma source(%dma_start3A_22 : memref<272x256xi32, #tpu.memory_space<hbm>>) target(%arg7 : memref<32x256xi32, #tpu.memory_space<vmem>>) offsets(%arg6 : memref<32xi32, #tpu.memory_space<vmem>>) semaphore(%arg11 : memref<!tpu.dma_semaphore, #tpu.memory_space<semaphore_mem>>)
    %dma_wait3A = arith.constant 0 : i32
    %dma_wait3A_23 = arith.constant 0 : i32
    %dma_wait3A_24 = tpu.memref_slice %arg2[%dma_wait3A, %dma_wait3A_23] : memref<272x256xi32, #tpu.memory_space<hbm>> -> memref<272x256xi32, #tpu.memory_space<hbm>>
    tpu.wait_indirect_dma semaphore(%arg11 : memref<!tpu.dma_semaphore, #tpu.memory_space<semaphore_mem>>) src(%dma_wait3A_24 : memref<272x256xi32, #tpu.memory_space<hbm>>) dst(%arg7 : memref<32x256xi32, #tpu.memory_space<vmem>>)
    %broadcast_in_dim3A = arith.constant 0 : i32
    %broadcast_in_dim3A_25 = vector.broadcast %broadcast_in_dim3A : i32 to vector<16xi32>
    %iota3A = tpu.iota {dimensions = array<i32: 0>} : vector<16xi32>
    %eq3A = arith.constant 0 : i32
    %eq3A_26 = vector.broadcast %eq3A : i32 to vector<16xi32>
    %eq3A_27 = arith.cmpi eq, %iota3A, %eq3A_26 : vector<16xi32>
    %parallel_loop3A = arith.constant 0 : i32
    %parallel_loop3A_28 = arith.constant 1024 : i32
    %parallel_loop3A_29 = arith.constant 1 : i32
    scf.for %parallel_loop3A_35 = %parallel_loop3A to %parallel_loop3A_28 step %parallel_loop3A_29  : i32 {
      %parallel_loop3A_36 = arith.constant 32 : i32
      %parallel_loop3A_37 = arith.divsi %parallel_loop3A_35, %parallel_loop3A_36 : i32
      %parallel_loop3A_38 = arith.constant 0 : i32
      %parallel_loop3A_39 = arith.cmpi sgt, %parallel_loop3A_35, %parallel_loop3A_38 : i32
      %parallel_loop3A_40 = arith.extui %parallel_loop3A_39 : i1 to i32
      %parallel_loop3A_41 = arith.constant 0 : i32
      %parallel_loop3A_42 = arith.cmpi slt, %parallel_loop3A_35, %parallel_loop3A_41 : i32
      %parallel_loop3A_43 = arith.extui %parallel_loop3A_42 : i1 to i32
      %parallel_loop3A_44 = arith.subi %parallel_loop3A_40, %parallel_loop3A_43 : i32
      %parallel_loop3A_45 = arith.constant 0 : i32
      %parallel_loop3A_46 = arith.cmpi sgt, %parallel_loop3A_36, %parallel_loop3A_45 : i32
      %parallel_loop3A_47 = arith.extui %parallel_loop3A_46 : i1 to i32
      %parallel_loop3A_48 = arith.constant 0 : i32
      %parallel_loop3A_49 = arith.cmpi slt, %parallel_loop3A_36, %parallel_loop3A_48 : i32
      %parallel_loop3A_50 = arith.extui %parallel_loop3A_49 : i1 to i32
      %parallel_loop3A_51 = arith.subi %parallel_loop3A_47, %parallel_loop3A_50 : i32
      %parallel_loop3A_52 = arith.cmpi ne, %parallel_loop3A_44, %parallel_loop3A_51 : i32
      %parallel_loop3A_53 = arith.remsi %parallel_loop3A_35, %parallel_loop3A_36 : i32
      %parallel_loop3A_54 = arith.constant 0 : i32
      %parallel_loop3A_55 = arith.cmpi ne, %parallel_loop3A_53, %parallel_loop3A_54 : i32
      %parallel_loop3A_56 = arith.andi %parallel_loop3A_52, %parallel_loop3A_55 : i1
      %parallel_loop3A_57 = arith.constant 1 : i32
      %parallel_loop3A_58 = arith.subi %parallel_loop3A_37, %parallel_loop3A_57 : i32
      %parallel_loop3A_59 = arith.select %parallel_loop3A_56, %parallel_loop3A_58, %parallel_loop3A_37 : i32
      %parallel_loop3A_60 = arith.constant 32 : i32
      %parallel_loop3A_61 = arith.constant 0 : i32
      %parallel_loop3A_62 = arith.cmpi eq, %parallel_loop3A_60, %parallel_loop3A_61 : i32
      %parallel_loop3A_63 = arith.constant 1 : i32
      %parallel_loop3A_64 = arith.select %parallel_loop3A_62, %parallel_loop3A_63, %parallel_loop3A_60 : i32
      %parallel_loop3A_65 = arith.remsi %parallel_loop3A_35, %parallel_loop3A_64 : i32
      %parallel_loop3A_66 = arith.constant 0 : i32
      %parallel_loop3A_67 = arith.cmpi ne, %parallel_loop3A_65, %parallel_loop3A_66 : i32
      %parallel_loop3A_68 = arith.constant 0 : i32
      %parallel_loop3A_69 = arith.cmpi slt, %parallel_loop3A_65, %parallel_loop3A_68 : i32
      %parallel_loop3A_70 = arith.constant 0 : i32
      %parallel_loop3A_71 = arith.cmpi slt, %parallel_loop3A_64, %parallel_loop3A_70 : i32
      %parallel_loop3A_72 = arith.xori %parallel_loop3A_69, %parallel_loop3A_71 : i1
      %parallel_loop3A_73 = arith.andi %parallel_loop3A_72, %parallel_loop3A_67 : i1
      %parallel_loop3A_74 = arith.addi %parallel_loop3A_65, %parallel_loop3A_64 : i32
      %parallel_loop3A_75 = arith.select %parallel_loop3A_73, %parallel_loop3A_74, %parallel_loop3A_65 : i32
      %parallel_loop3A_76 = vector.broadcast %parallel_loop3A_59 : i32 to vector<16xi32>
      %parallel_loop3A_77 = arith.addi %broadcast_in_dim3A_25, %parallel_loop3A_76 : vector<16xi32>
      %parallel_loop3A_78 = arith.constant 16 : i32
      %parallel_loop3A_79 = arith.muli %parallel_loop3A_75, %parallel_loop3A_78 : i32
      %parallel_loop3A_80 = arith.index_cast %parallel_loop3A_79 : i32 to index
      %parallel_loop3A_81 = tpu.vector_load %arg9[%parallel_loop3A_80] {strides = array<i32>} : memref<512xi32, #tpu.memory_space<vmem>>, vector<16xi32>,
      %parallel_loop3A_82 = tpu.vector_load_idx %arg7[%parallel_loop3A_77, %parallel_loop3A_81] : memref<32x256xi32, #tpu.memory_space<vmem>>[vector<16xi32>, vector<16xi32>], vector<16xi32>,
      %parallel_loop3A_83 = arith.constant 16 : i32
      %parallel_loop3A_84 = arith.muli %parallel_loop3A_35, %parallel_loop3A_83 : i32
      %parallel_loop3A_85 = arith.index_cast %parallel_loop3A_84 : i32 to index
      %parallel_loop3A_86 = tpu.vector_load %arg10[%parallel_loop3A_85] {strides = array<i32>} : memref<16384xi32, #tpu.memory_space<vmem>>, vector<16xi32>,
      tpu.vector_store %arg10[%parallel_loop3A_85], %parallel_loop3A_82 {strides = array<i32>} : memref<16384xi32, #tpu.memory_space<vmem>>, vector<16xi32>,
    } {sc.loop_unroll_factor = 4 : i64, sc.parallel_access}
    %parallel_loop3A_30 = arith.constant 0 : i32
    %parallel_loop3A_31 = arith.constant 32 : i32
    %parallel_loop3A_32 = arith.constant 1 : i32
    scf.for %parallel_loop3A_35 = %parallel_loop3A_30 to %parallel_loop3A_31 step %parallel_loop3A_32  : i32 {
      %parallel_loop3A_36 = vector.broadcast %parallel_loop3A_35 : i32 to vector<16xi32>
      %parallel_loop3A_37 = arith.addi %broadcast_in_dim3A_25, %parallel_loop3A_36 : vector<16xi32>
      %parallel_loop3A_38 = arith.constant 512 : i32
      %parallel_loop3A_39 = arith.muli %parallel_loop3A_35, %parallel_loop3A_38 : i32
      %parallel_loop3A_40 = arith.addi %mul3A_2, %parallel_loop3A_35 : i32
      %parallel_loop3A_41 = arith.constant 512 : i32
      %parallel_loop3A_42 = arith.constant 0 : i32
      %parallel_loop3A_43 = arith.cmpi eq, %parallel_loop3A_41, %parallel_loop3A_42 : i32
      %parallel_loop3A_44 = arith.constant 1 : i32
      %parallel_loop3A_45 = arith.select %parallel_loop3A_43, %parallel_loop3A_44, %parallel_loop3A_41 : i32
      %parallel_loop3A_46 = arith.remsi %parallel_loop3A_40, %parallel_loop3A_45 : i32
      %parallel_loop3A_47 = arith.constant 0 : i32
      %parallel_loop3A_48 = arith.cmpi ne, %parallel_loop3A_46, %parallel_loop3A_47 : i32
      %parallel_loop3A_49 = arith.constant 0 : i32
      %parallel_loop3A_50 = arith.cmpi slt, %parallel_loop3A_46, %parallel_loop3A_49 : i32
      %parallel_loop3A_51 = arith.constant 0 : i32
      %parallel_loop3A_52 = arith.cmpi slt, %parallel_loop3A_45, %parallel_loop3A_51 : i32
      %parallel_loop3A_53 = arith.xori %parallel_loop3A_50, %parallel_loop3A_52 : i1
      %parallel_loop3A_54 = arith.andi %parallel_loop3A_53, %parallel_loop3A_48 : i1
      %parallel_loop3A_55 = arith.addi %parallel_loop3A_46, %parallel_loop3A_45 : i32
      %parallel_loop3A_56 = arith.select %parallel_loop3A_54, %parallel_loop3A_55, %parallel_loop3A_46 : i32
      %parallel_loop3A_57 = arith.addi %parallel_loop3A_39, %parallel_loop3A_56 : i32
      %parallel_loop3A_58 = vector.broadcast %parallel_loop3A_57 : i32 to vector<16xi32>
      %parallel_loop3A_59 = arith.addi %broadcast_in_dim3A_25, %parallel_loop3A_58 : vector<16xi32>
      tpu.vector_store_idx %arg10[%parallel_loop3A_59], %broadcast_in_dim3A_25 masked %eq3A_27 : memref<16384xi32, #tpu.memory_space<vmem>>[vector<16xi32>], vector<16xi32>, vector<16xi1>
    } {sc.loop_unroll_factor = 2 : i64, sc.parallel_access}
    %mul3A_33 = arith.constant 512 : i32
    %mul3A_34 = arith.muli %mul3A_2, %mul3A_33 : i32
    "tpu.region"() ({
      %run_scoped3A = tpu.sem_alloc : memref<!tpu.dma_semaphore, #tpu.memory_space<semaphore_mem>>
      %dma_start3A_35 = tpu.memref_slice %arg5[%mul3A_34] : memref<524288xi32, #tpu.memory_space<hbm>> -> memref<16384xi32, #tpu.memory_space<hbm>>
      %dma_start3A_36 = tpu.memref_slice %arg5[%mul3A_34] : memref<524288xi32, #tpu.memory_space<hbm>> -> memref<16384xi32, #tpu.memory_space<hbm>>
      tpu.enqueue_dma source(%arg10 : memref<16384xi32, #tpu.memory_space<vmem>>) target(%dma_start3A_36 : memref<16384xi32, #tpu.memory_space<hbm>>) target_semaphore(%run_scoped3A : memref<!tpu.dma_semaphore, #tpu.memory_space<semaphore_mem>>)
      %dma_wait3A_37 = tpu.memref_slice %arg5[%mul3A_34] : memref<524288xi32, #tpu.memory_space<hbm>> -> memref<16384xi32, #tpu.memory_space<hbm>>
      %dma_wait3A_38 = tpu.memref_slice %arg5[%mul3A_34] : memref<524288xi32, #tpu.memory_space<hbm>> -> memref<16384xi32, #tpu.memory_space<hbm>>
      tpu.wait_dma2 semaphore(%run_scoped3A : memref<!tpu.dma_semaphore, #tpu.memory_space<semaphore_mem>>) src(%arg10 : memref<16384xi32, #tpu.memory_space<vmem>>) dst(%dma_wait3A_38 : memref<16384xi32, #tpu.memory_space<hbm>>)
      tpu.yield
    }) : () -> ()
    return
  }
}

module attributes {stable_mosaic.version = 14 : i64} {
  func.func @_tc_body(%arg0: i32, %arg1: memref<1x512x1xi32, #tpu.memory_space<vmem>>, %arg2: memref<1x128x128xf32, #tpu.memory_space<vmem>>, %arg3: memref<1x512x128xf32, #tpu.memory_space<vmem>>, %arg4: memref<1x136x256xi32, #tpu.memory_space<vmem>>, %arg5: memref<1x512x1xi32, #tpu.memory_space<vmem>>, %arg6: memref<1x512x1xi32, #tpu.memory_space<vmem>>) attributes {dimension_semantics = [#tpu.dimension_semantics<arbitrary>], iteration_bounds = array<i64: 2>, scalar_prefetch = 0 : i64, scratch_operands = 0 : i64, tpu.core_type = #tpu.core_type<tc>, window_params = [{transform_indices = @transform_0, window_bounds = array<i64: 1, 512, 1>}, {transform_indices = @transform_1, window_bounds = array<i64: 1, 128, 128>}, {transform_indices = @transform_2, window_bounds = array<i64: 1, 512, 128>}, {transform_indices = @transform_3, window_bounds = array<i64: 1, 136, 256>}, {transform_indices = @transform_4, window_bounds = array<i64: 1, 512, 1>}, {transform_indices = @transform_5, window_bounds = array<i64: 1, 512, 1>}]} {
    %get3A = arith.constant 0 : index
    %get3A_0 = arith.constant 0 : index
    %get3A_1 = arith.constant 0 : index
    %get3A_2 = vector.load %arg3[%get3A, %get3A_0, %get3A_1] : memref<1x512x128xf32, #tpu.memory_space<vmem>>, vector<1x512x128xf32>
    %get3A_3 = vector.shape_cast %get3A_2 : vector<1x512x128xf32> to vector<512x128xf32>
    %get3A_4 = arith.constant 0 : index
    %get3A_5 = arith.constant 0 : index
    %get3A_6 = arith.constant 0 : index
    %get3A_7 = vector.load %arg2[%get3A_4, %get3A_5, %get3A_6] : memref<1x128x128xf32, #tpu.memory_space<vmem>>, vector<1x128x128xf32>
    %get3A_8 = vector.shape_cast %get3A_7 : vector<1x128x128xf32> to vector<128x128xf32>
    %get3A_9 = arith.constant 0 : index
    %get3A_10 = arith.constant 0 : index
    %get3A_11 = arith.constant 0 : index
    %get3A_12 = vector.load %arg1[%get3A_9, %get3A_10, %get3A_11] : memref<1x512x1xi32, #tpu.memory_space<vmem>>, vector<1x512x1xi32>
    %get3A_13 = vector.shape_cast %get3A_12 : vector<1x512x1xi32> to vector<512x1xi32>
    %iota3A = tpu.iota {dimensions = array<i32: 1>} : vector<512x128xi32>
    %reduce_max3A = arith.constant dense<0xFF800000> : vector<512xf32>
    %reduce_max3A_14 = vector.multi_reduction <maximumf>, %get3A_3, %reduce_max3A [1] : vector<512x128xf32> to vector<512xf32>
    %broadcast_in_dim3A = vector.shape_cast %reduce_max3A_14 : vector<512xf32> to vector<512x1xf32>
    %eq3A = vector.broadcast %broadcast_in_dim3A : vector<512x1xf32> to vector<512x128xf32>
    %eq3A_15 = arith.cmpf oeq, %get3A_3, %eq3A : vector<512x128xf32>
    %jit3A = arith.constant 128 : i32
    %broadcast_in_dim3A_16 = vector.broadcast %jit3A : i32 to vector<512x128xi32>
    %select_n3A = arith.select %eq3A_15, %iota3A, %broadcast_in_dim3A_16 : vector<512x128xi1>, vector<512x128xi32>
    %reduce_min3A = arith.constant dense<2147483647> : vector<512xi32>
    %reduce_min3A_17 = vector.multi_reduction <minsi>, %select_n3A, %reduce_min3A [1] : vector<512x128xi32> to vector<512xi32>
    %broadcast_in_dim3A_18 = vector.shape_cast %reduce_min3A_17 : vector<512xi32> to vector<512x1xi32>
    %eq3A_19 = vector.broadcast %broadcast_in_dim3A_18 : vector<512x1xi32> to vector<512x128xi32>
    %eq3A_20 = arith.cmpi eq, %iota3A, %eq3A_19 : vector<512x128xi32>
    %convert_element_type3A = arith.extui %eq3A_20 : vector<512x128xi1> to vector<512x128xi32>
    %convert_element_type3A_21 = arith.sitofp %convert_element_type3A : vector<512x128xi32> to vector<512x128xf32>
    %convert_element_type3A_22 = arith.truncf %convert_element_type3A_21 : vector<512x128xf32> to vector<512x128xbf16>
    %ne3A = arith.constant -1 : i32
    %ne3A_23 = vector.broadcast %ne3A : i32 to vector<512x1xi32>
    %ne3A_24 = arith.cmpi ne, %get3A_13, %ne3A_23 : vector<512x1xi32>
    %convert_element_type3A_25 = arith.extui %ne3A_24 : vector<512x1xi1> to vector<512x1xi32>
    %convert_element_type3A_26 = arith.sitofp %convert_element_type3A_25 : vector<512x1xi32> to vector<512x1xf32>
    %convert_element_type3A_27 = arith.truncf %convert_element_type3A_26 : vector<512x1xf32> to vector<512x1xbf16>
    %mul3A = vector.broadcast %convert_element_type3A_27 : vector<512x1xbf16> to vector<512x128xbf16>
    %mul3A_28 = arith.mulf %convert_element_type3A_22, %mul3A : vector<512x128xbf16>
    %convert_element_type3A_29 = arith.extf %mul3A_28 : vector<512x128xbf16> to vector<512x128xf32>
    %reduce_max3A_30 = arith.constant dense<0xFF800000> : vector<128xf32>
    %reduce_max3A_31 = vector.multi_reduction <maximumf>, %convert_element_type3A_29, %reduce_max3A_30 [0] : vector<512x128xf32> to vector<128xf32>
    %broadcast_in_dim3A_32 = vector.shape_cast %reduce_max3A_31 : vector<128xf32> to vector<1x128xf32>
    %gt3A = arith.constant 0.000000e+00 : f32
    %gt3A_33 = vector.broadcast %gt3A : f32 to vector<128x128xf32>
    %gt3A_34 = arith.cmpf ogt, %get3A_8, %gt3A_33 : vector<128x128xf32>
    %jit3A_35 = arith.constant 1.000000e+00 : f32
    %jit3A_36 = arith.constant 0.000000e+00 : f32
    %broadcast_in_dim3A_37 = vector.broadcast %jit3A_35 : f32 to vector<128x128xf32>
    %broadcast_in_dim3A_38 = vector.broadcast %jit3A_36 : f32 to vector<128x128xf32>
    %select_n3A_39 = arith.select %gt3A_34, %broadcast_in_dim3A_37, %broadcast_in_dim3A_38 : vector<128x128xi1>, vector<128x128xf32>
    %convert_element_type3A_40 = arith.truncf %select_n3A_39 : vector<128x128xf32> to vector<128x128xbf16>
    %gt3A_41 = arith.constant 5.000000e-01 : f32
    %gt3A_42 = vector.broadcast %gt3A_41 : f32 to vector<1x128xf32>
    %gt3A_43 = arith.cmpf ogt, %broadcast_in_dim3A_32, %gt3A_42 : vector<1x128xf32>
    %and3A = vector.broadcast %gt3A_43 : vector<1x128xi1> to vector<128x128xi1>
    %and3A_44 = arith.andi %gt3A_34, %and3A : vector<128x128xi1>
    %jit3A_45 = arith.constant 1.000000e+00 : f32
    %jit3A_46 = arith.constant 0.000000e+00 : f32
    %broadcast_in_dim3A_47 = vector.broadcast %jit3A_45 : f32 to vector<128x128xf32>
    %broadcast_in_dim3A_48 = vector.broadcast %jit3A_46 : f32 to vector<128x128xf32>
    %select_n3A_49 = arith.select %and3A_44, %broadcast_in_dim3A_47, %broadcast_in_dim3A_48 : vector<128x128xi1>, vector<128x128xf32>
    %convert_element_type3A_50 = arith.truncf %select_n3A_49 : vector<128x128xf32> to vector<128x128xbf16>
    %jit3A_51 = arith.constant 1.000000e+00 : f32
    %jit3A_52 = arith.constant 1.024000e+03 : f32
    %broadcast_in_dim3A_53 = vector.broadcast %jit3A_51 : f32 to vector<128x128xf32>
    %broadcast_in_dim3A_54 = vector.broadcast %jit3A_52 : f32 to vector<128x128xf32>
    %select_n3A_55 = arith.select %gt3A_34, %broadcast_in_dim3A_53, %broadcast_in_dim3A_54 : vector<128x128xi1>, vector<128x128xf32>
    %while3A = arith.constant 1 : i32
    %while3A_56 = arith.constant 1.000000e+00 : f32
    %while3A_57:4 = scf.while (%while3A_96 = %while3A, %while3A_97 = %while3A_56, %while3A_98 = %convert_element_type3A_40, %while3A_99 = %select_n3A_55) : (i32, f32, vector<128x128xbf16>, vector<128x128xf32>) -> (i32, f32, vector<128x128xbf16>, vector<128x128xf32>) {
      %lt3A = arith.constant 128 : i32
      %lt3A_100 = arith.cmpi slt, %while3A_96, %lt3A : i32
      %gt3A_101 = arith.constant 5.000000e-01 : f32
      %gt3A_102 = arith.cmpf ogt, %while3A_97, %gt3A_101 : f32
      %and3A_103 = arith.andi %lt3A_100, %gt3A_102 : i1
      scf.condition(%and3A_103) %while3A_96, %while3A_97, %while3A_98, %while3A_99 : i32, f32, vector<128x128xbf16>, vector<128x128xf32>
    } do {
    ^bb0(%while3A_96: i32, %while3A_97: f32, %while3A_98: vector<128x128xbf16>, %while3A_99: vector<128x128xf32>):
      %dot_general3A = arith.constant dense<0.000000e+00> : vector<128x128xf32>
      %dot_general3A_100 = tpu.matmul %convert_element_type3A_50, %while3A_98, %dot_general3A {dimension_numbers = #tpu.dot_dimension_numbers<[1], [0], [0], [1], [0, 0, 1, 1], [], []>, transpose_lhs_hint = false} : vector<128x128xbf16>, vector<128x128xbf16>, vector<128x128xf32> -> vector<128x128xf32>
      %convert_element_type3A_101 = arith.truncf %dot_general3A_100 : vector<128x128xf32> to vector<128x128xbf16>
      %max3A = arith.maximumf %while3A_98, %convert_element_type3A_101 : vector<128x128xbf16>
      %min3A = arith.constant 1.000000e+00 : bf16
      %min3A_102 = vector.broadcast %min3A : bf16 to vector<128x128xbf16>
      %min3A_103 = arith.minimumf %max3A, %min3A_102 : vector<128x128xbf16>
      %mul3A_104 = arith.constant 9.765625E-4 : f32
      %mul3A_105 = vector.broadcast %mul3A_104 : f32 to vector<128x128xf32>
      %mul3A_106 = arith.mulf %while3A_99, %mul3A_105 : vector<128x128xf32>
      %floor3A = math.floor %mul3A_106 : vector<128x128xf32>
      %convert_element_type3A_107 = arith.extf %min3A_103 : vector<128x128xbf16> to vector<128x128xf32>
      %mul3A_108 = arith.mulf %floor3A, %convert_element_type3A_107 : vector<128x128xf32>
      %reduce_max3A_109 = vector.shape_cast %mul3A_108 : vector<128x128xf32> to vector<1x128x128xf32>
      %reduce_max3A_110 = arith.constant dense<0xFF800000> : vector<1xf32>
      %reduce_max3A_111 = vector.multi_reduction <maximumf>, %reduce_max3A_109, %reduce_max3A_110 [1, 2] : vector<1x128x128xf32> to vector<1xf32>
      %reduce_max3A_112 = vector.shape_cast %reduce_max3A_111 : vector<1xf32> to vector<1x1x1xf32>
      %reduce_max3A_113 = vector.extract %reduce_max3A_112[0, 0, 0] : f32 from vector<1x1x1xf32>
      %add3A_114 = arith.constant 1 : i32
      %add3A_115 = arith.addi %while3A_96, %add3A_114 : i32
      %convert_element_type3A_116 = arith.sitofp %add3A_115 : i32 to f32
      %sub3A = arith.constant 1.024000e+03 : f32
      %sub3A_117 = arith.subf %convert_element_type3A_116, %sub3A : f32
      %mul3A_118 = vector.broadcast %sub3A_117 : f32 to vector<128x128xf32>
      %mul3A_119 = arith.mulf %mul3A_108, %mul3A_118 : vector<128x128xf32>
      %add3A_120 = arith.addf %while3A_99, %mul3A_119 : vector<128x128xf32>
      %add3A_121 = arith.constant 1 : i32
      %add3A_122 = arith.addi %while3A_96, %add3A_121 : i32
      scf.yield %add3A_122, %reduce_max3A_113, %min3A_103, %add3A_120 : i32, f32, vector<128x128xbf16>, vector<128x128xf32>
    }
    %gt3A_58 = arith.constant 5.000000e+02 : f32
    %gt3A_59 = vector.broadcast %gt3A_58 : f32 to vector<128x128xf32>
    %gt3A_60 = arith.cmpf ogt, %while3A_57#3, %gt3A_59 : vector<128x128xf32>
    %convert_element_type3A_61 = arith.fptosi %while3A_57#3 : vector<128x128xf32> to vector<128x128xi32>
    %jit3A_62 = arith.constant -1 : i32
    %broadcast_in_dim3A_63 = vector.broadcast %jit3A_62 : i32 to vector<128x128xi32>
    %select_n3A_64 = arith.select %gt3A_60, %broadcast_in_dim3A_63, %convert_element_type3A_61 : vector<128x128xi1>, vector<128x128xi32>
    %broadcast_in_dim3A_65 = arith.constant -1 : i32
    %broadcast_in_dim3A_66 = vector.broadcast %broadcast_in_dim3A_65 : i32 to vector<136x256xi32>
    %swap3A = arith.constant 0 : index
    %swap3A_67 = arith.constant 0 : index
    %swap3A_68 = arith.constant 0 : index
    %swap3A_69 = vector.load %arg4[%swap3A, %swap3A_67, %swap3A_68] : memref<1x136x256xi32, #tpu.memory_space<vmem>>, vector<1x136x256xi32>
    %swap3A_70 = vector.shape_cast %swap3A_69 : vector<1x136x256xi32> to vector<136x256xi32>
    %swap3A_71 = vector.shape_cast %broadcast_in_dim3A_66 : vector<136x256xi32> to vector<1x136x256xi32>
    tpu.vector_store %arg4[%swap3A, %swap3A_67, %swap3A_68], %swap3A_71 {strides = array<i32>} : memref<1x136x256xi32, #tpu.memory_space<vmem>>, vector<1x136x256xi32>,
    %swap3A_72 = arith.constant 0 : index
    %swap3A_73 = arith.constant 0 : index
    %swap3A_74 = arith.constant 0 : index
    %swap3A_75 = vector.load %arg4[%swap3A_72, %swap3A_73, %swap3A_74] : memref<1x136x256xi32, #tpu.memory_space<vmem>>, vector<1x128x128xi32>
    %swap3A_76 = vector.shape_cast %swap3A_75 : vector<1x128x128xi32> to vector<128x128xi32>
    %swap3A_77 = vector.shape_cast %select_n3A_64 : vector<128x128xi32> to vector<1x128x128xi32>
    tpu.vector_store %arg4[%swap3A_72, %swap3A_73, %swap3A_74], %swap3A_77 {strides = array<i32>} : memref<1x136x256xi32, #tpu.memory_space<vmem>>, vector<1x128x128xi32>,
    %jit3A_78 = arith.constant 128 : i32
    %broadcast_in_dim3A_79 = vector.broadcast %jit3A_78 : i32 to vector<512x1xi32>
    %select_n3A_80 = arith.select %ne3A_24, %broadcast_in_dim3A_18, %broadcast_in_dim3A_79 : vector<512x1xi1>, vector<512x1xi32>
    %mul3A_81 = arith.constant 136 : i32
    %mul3A_82 = arith.muli %arg0, %mul3A_81 : i32
    %add3A = vector.broadcast %mul3A_82 : i32 to vector<512x1xi32>
    %add3A_83 = arith.addi %add3A, %select_n3A_80 : vector<512x1xi32>
    %swap3A_84 = arith.constant 0 : index
    %swap3A_85 = arith.constant 0 : index
    %swap3A_86 = arith.constant 0 : index
    %swap3A_87 = vector.load %arg5[%swap3A_84, %swap3A_85, %swap3A_86] : memref<1x512x1xi32, #tpu.memory_space<vmem>>, vector<1x512x1xi32>
    %swap3A_88 = vector.shape_cast %swap3A_87 : vector<1x512x1xi32> to vector<512x1xi32>
    %swap3A_89 = vector.shape_cast %add3A_83 : vector<512x1xi32> to vector<1x512x1xi32>
    tpu.vector_store %arg5[%swap3A_84, %swap3A_85, %swap3A_86], %swap3A_89 {strides = array<i32>} : memref<1x512x1xi32, #tpu.memory_space<vmem>>, vector<1x512x1xi32>,
    %swap3A_90 = arith.constant 0 : index
    %swap3A_91 = arith.constant 0 : index
    %swap3A_92 = arith.constant 0 : index
    %swap3A_93 = vector.load %arg6[%swap3A_90, %swap3A_91, %swap3A_92] : memref<1x512x1xi32, #tpu.memory_space<vmem>>, vector<1x512x1xi32>
    %swap3A_94 = vector.shape_cast %swap3A_93 : vector<1x512x1xi32> to vector<512x1xi32>
    %swap3A_95 = vector.shape_cast %select_n3A_80 : vector<512x1xi32> to vector<1x512x1xi32>
    tpu.vector_store %arg6[%swap3A_90, %swap3A_91, %swap3A_92], %swap3A_95 {strides = array<i32>} : memref<1x512x1xi32, #tpu.memory_space<vmem>>, vector<1x512x1xi32>,
    return
  }
  func.func @transform_0(%arg0: i32) -> (i32, i32, i32) {
    %c0_i32 = arith.constant 0 : i32
    %c0_i32_0 = arith.constant 0 : i32
    %c0_i32_1 = arith.constant 0 : i32
    return %arg0, %c0_i32, %c0_i32_0 : i32, i32, i32
  }
  func.func @transform_1(%arg0: i32) -> (i32, i32, i32) {
    %c0_i32 = arith.constant 0 : i32
    %c0_i32_0 = arith.constant 0 : i32
    %c0_i32_1 = arith.constant 0 : i32
    return %arg0, %c0_i32, %c0_i32_0 : i32, i32, i32
  }
  func.func @transform_2(%arg0: i32) -> (i32, i32, i32) {
    %c0_i32 = arith.constant 0 : i32
    %c0_i32_0 = arith.constant 0 : i32
    %c0_i32_1 = arith.constant 0 : i32
    return %arg0, %c0_i32, %c0_i32_0 : i32, i32, i32
  }
  func.func @transform_3(%arg0: i32) -> (i32, i32, i32) {
    %c0_i32 = arith.constant 0 : i32
    %c0_i32_0 = arith.constant 0 : i32
    %c0_i32_1 = arith.constant 0 : i32
    return %arg0, %c0_i32, %c0_i32_0 : i32, i32, i32
  }
  func.func @transform_4(%arg0: i32) -> (i32, i32, i32) {
    %c0_i32 = arith.constant 0 : i32
    %c0_i32_0 = arith.constant 0 : i32
    %c0_i32_1 = arith.constant 0 : i32
    return %arg0, %c0_i32, %c0_i32_0 : i32, i32, i32
  }
  func.func @transform_5(%arg0: i32) -> (i32, i32, i32) {
    %c0_i32 = arith.constant 0 : i32
    %c0_i32_0 = arith.constant 0 : i32
    %c0_i32_1 = arith.constant 0 : i32
    return %arg0, %c0_i32, %c0_i32_0 : i32, i32, i32
  }
}

</mosaic_0001>

<sc_bundles>
// kernel: kernel.4.cloned.1.call-start
scs
__scs_entry_jumppad:
0x0: {  	(pc) =	sbr.rel $0x88, $3  }
0x1: {  	(tag) =	ssettag $0x0;
	lr =	simm.s32 $0x1  }
0x2: {  	[smem:$0x3F9E] =	sst lr;
	_ =	strace $0xD0000000  }
0x3: {  	_ = 	snop  }
0x4: {  	_ = 	snop  }
0x5: {  	_ = 	snop  }
0x6: {  	_ = 	snop  }
0x7: {  	_ = 	snop  }
__scs_overlays_trampoline_lowered:
0x8: {  	[smem:$0x3FAD] =	sst s0  }
0x9: {  	[smem:$0x3FAE] =	sst s1  }
0xa: {  	[smem:$0x3FAF] =	sst s2  }
0xb: {  	[smem:$0x3FB0] =	sst s3  }
0xc: {  	[smem:$0x3FB1] =	sst s4  }
0xd: {  	[smem:$0x3FB2] =	sst s5  }
0xe: {  	[smem:$0x3FB3] =	sst s6  }
0xf: {  	[smem:$0x3FB4] =	sst s7  }
0x10: {  	[smem:$0x3FB5] =	sst s8  }
0x11: {  	[smem:$0x3FB6] =	sst s9;
	s0 =	simm.s32 @!p0 $0x0  }
0x12: {  	s1 =	sld [smem:$0x3F9C];
	s0 =	simm.s32 @p0 $0x1  }
0x13: {  	[smem:$0x3FB7] =	sst s0;
	s0 =	simm.s32 @!p1 $0x0  }
0x14: {  	s2 =	sld [smem:$0x3F9B];
	s0 =	simm.s32 @p1 $0x1  }
0x15: {  	[smem:$0x3FB8] =	sst s0;
	s0 =	simm.s32 @!p2 $0x0  }
0x16: {  	s3 =	sld [smem:$0x3FDB];
	s0 =	simm.s32 @p2 $0x1  }
0x17: {  	s4 =	simm.s32 $0x1BF5;
	[smem:$0x3FBA] =	sst s0  }
0x18: {  	s0 =	sld [smem:$0x3F9D];
	_ =	swait.ge [sflag:s4], $0x0  }
0x19: {  	s7 =	sld [smem:$0x3F9E]  }
0x1a: {  	s8 =	sadd.s32 $0xFFFFE003, lr  }
0x1b: {  	s9 =	sadd.s32 $0xFFFFFEF7, lr;
	s5 =	simm.s32 $0xFFFFFFFF;
	p2 =	slt.u32 s8, $0xFFFFF086  }
0x1c: {  	p1 =	slt.u32 s9, $0xF7A;
	s5 =	simm.s32 @!p2 $0x0  }
0x1d: {  	s5 =	simm.s32 @p1 $0x1;
	p0 =	seq.s32 s7, s2  }
0x1e: {  	s7 =	smul.u32 @!p0 $0xF7A, s2;
	p2 =	seq.s32 @!p0 s5, $0x0  }
0x1f: {  	s9 =	smul.u32 $0xF7A, s1;
	s8 =	simm.s32 @!p0 $0x1BF5;
	p2 =	por !p2, p0  }
0x20: {  	[sflag:s8] =	ssyncset.s32 @!p0 $0xFFFFF086;
	s6 =	sadd.s32 @!p0 s3, s7;
	s7 =	simm.s32 @!p0 $0x108  }
0x21: {  	s3 =	sadd.s32 s3, s9;
	s6 =	sadd.s32 @!p0 $0x88, s6;
	s7 =	simm.s32 @p2 $0x1082  }
0x22: {  	[simem:s7], [sflag:s8] =	dma.local @!p0 [hbm:s6], $0xF7A  }
0x23: {  	s9 =	sor.u32 $0xD0000000, s2;
	s6 =	simm.s32 $0x108;
	_ =	swait.ge @!p0 [sflag:s8], $0x0  }
0x24: {  	s3 =	sadd.s32 $0x88, s3;
	s6 =	simm.s32 @!p1 $0x1082;
	[sflag:s4] =	ssyncset.s32 $0xFFFFF086  }
0x25: {  	[simem:s6], [sflag:s4] =	dma.local [hbm:s3], $0xF7A  }
0x26: {  	[smem:$0x3F9E] =	sst s1;
	(tag) =	ssettag s2;
	_ =	strace s9  }
0x27: {  	s1 =	sld [smem:$0x3FAE]  }
0x28: {  	s2 =	sld [smem:$0x3FAF]  }
0x29: {  	s4 =	sld [smem:$0x3FB1]  }
0x2a: {  	p0 =	seq.s32 s5, $0x0;
	s5 =	sld [smem:$0x3FB2]  }
0x2b: {  	s6 =	sld [smem:$0x3FB3]  }
0x2c: {  	s7 =	sld [smem:$0x3FB4]  }
0x2d: {  	s3 =	simm.s32 $0x108;
	s8 =	sld [smem:$0x3FB5]  }
0x2e: {  	s3 =	simm.s32 @!p0 $0x1082;
	s9 =	sld [smem:$0x3FB6]  }
0x2f: {  	lr =	sadd.s32 s0, s3;
	s0 =	sld [smem:$0x3FAD]  }
0x30: {  	s3 =	sld [smem:$0x3FB0]  }
0x31: {  	[smem:$0x3FB9] =	sst s10  }
0x32: {  	s10 =	sld [smem:$0x3FB7];
	_ =	sdelay $0x3  }
0x33: {  	p0 =	seq.s32 s10, $0x1;
	s10 =	sld [smem:$0x3FB9];
	_ =	sdelay $0x3  }
0x34: {  	[smem:$0x3FB9] =	sst s10  }
0x35: {  	s10 =	sld [smem:$0x3FB8];
	_ =	sdelay $0x3  }
0x36: {  	p1 =	seq.s32 s10, $0x1;
	s10 =	sld [smem:$0x3FB9];
	_ =	sdelay $0x3  }
0x37: {  	[smem:$0x3FB9] =	sst s10  }
0x38: {  	s10 =	sld [smem:$0x3FBA]  }
0x39: {  	_ = 	snop;
	(pc) =	sbr.ind lr, $3  }
0x3a: {  	_ = 	snop  }
0x3b: {  	_ = 	snop  }
0x3c: {  	p2 =	seq.s32 s10, $0x1;
	s10 =	sld [smem:$0x3FB9]  }
0x3d: {  	_ =	shalt  }
0x3e: {  	_ =	shalt  }
0x3f: {  	_ =	shalt  }
0x40: {  	_ =	shalt  }
0x41: {  	_ =	shalt  }
0x42: {  	_ =	shalt  }
0x43: {  	_ =	shalt  }
0x44: {  	_ =	shalt  }
0x45: {  	_ =	shalt  }
0x46: {  	_ =	shalt  }
0x47: {  	_ =	shalt  }
0x48: {  	_ =	shalt  }
0x49: {  	_ =	shalt  }
0x4a: {  	_ =	shalt  }
0x4b: {  	_ =	shalt  }
0x4c: {  	_ =	shalt  }
0x4d: {  	_ =	shalt  }
0x4e: {  	_ =	shalt  }
0x4f: {  	_ =	shalt  }
0x50: {  	_ =	shalt  }
0x51: {  	_ =	shalt  }
0x52: {  	_ =	shalt  }
0x53: {  	_ =	shalt  }
0x54: {  	_ =	shalt  }
0x55: {  	_ =	shalt  }
0x56: {  	_ =	shalt  }
0x57: {  	_ =	shalt  }
0x58: {  	_ =	shalt  }
0x59: {  	_ =	shalt  }
0x5a: {  	_ =	shalt  }
0x5b: {  	_ =	shalt  }
0x5c: {  	_ =	shalt  }
0x5d: {  	_ =	shalt  }
0x5e: {  	_ =	shalt  }
0x5f: {  	_ =	shalt  }
0x60: {  	_ =	shalt  }
0x61: {  	_ =	shalt  }
0x62: {  	_ =	shalt  }
0x63: {  	_ =	shalt  }
0x64: {  	_ =	shalt  }
0x65: {  	_ =	shalt  }
0x66: {  	_ =	shalt  }
0x67: {  	_ =	shalt  }
0x68: {  	_ =	shalt  }
0x69: {  	_ =	shalt  }
0x6a: {  	_ =	shalt  }
0x6b: {  	_ =	shalt  }
0x6c: {  	_ =	shalt  }
0x6d: {  	_ =	shalt  }
0x6e: {  	_ =	shalt  }
0x6f: {  	_ =	shalt  }
0x70: {  	_ =	shalt  }
0x71: {  	_ =	shalt  }
0x72: {  	_ =	shalt  }
0x73: {  	_ =	shalt  }
0x74: {  	_ =	shalt  }
0x75: {  	_ =	shalt  }
0x76: {  	_ =	shalt  }
0x77: {  	_ =	shalt  }
0x78: {  	_ =	shalt  }
0x79: {  	_ =	shalt  }
0x7a: {  	_ =	shalt  }
0x7b: {  	_ =	shalt  }
0x7c: {  	_ =	shalt  }
0x7d: {  	_ =	shalt  }
0x7e: {  	_ =	shalt  }
0x7f: {  	_ =	shalt  }
0x80: {  	_ =	shalt  }
0x81: {  	_ =	shalt  }
0x82: {  	_ =	shalt  }
0x83: {  	_ =	shalt  }
0x84: {  	_ =	shalt  }
0x85: {  	_ =	shalt  }
0x86: {  	_ =	shalt  }
0x87: {  	_ =	shalt  }
.Lfunc_end0:
.L_simem_size_0:
called_computation_lowered:
.L_overlay_start_0:
0x88: {  	s2 =	sld [smem:$0x3FD9]  }
0x89: {  	s3 =	sld [smem:$0x3FFE];
	_ =	sdelay $0x1  }
0x8a: {  	s1 =	srdreg.scid  }
0x8b: {  	s0 =	sand.u32 $0x1, s1  }
0x8c: {  	s17 =	sshll.u32 s0, $0xA;
	s2 =	sadd.s32 s3, s2  }
0x8d: {  	s2 =	sadd.s32 s2, s17  }
0x8e: {  	[smem:$0x3FC5] =	sst s2  }
0x8f: {  	_ = 	snop  }
0x90: {  	s2 =	sld [smem:$0x3FD0];
	(tm) =	ssettm $0x1  }
0x91: {  	s18 =	sld [smem:$0x3FFB];
	_ =	sdelay $0x3  }
0x92: {  	_ =	strace s18  }
0x93: {  	s3 =	sld [smem:$0x3FFC];
	_ =	sdelay $0x3  }
0x94: {  	_ =	strace s3  }
0x95: {  	s3 =	sld [smem:$0x3FFD];
	_ =	sdelay $0x3  }
0x96: {  	_ =	strace s3  }
0x97: {  	_ =	strace $0x8FFFFFFF  }
0x98: {  	s19 =	sld [smem:$0x3FDB];
	_ =	sdelay $0x1  }
0x99: {  	s4 =	simm.s32 $_scs_section_size  }
0x9a: {  	s5 =	simm.s32 $_size__tile_overlayer_lowered;
	s6 =	simm.s32 $_tile_overlayer_lowered  }
0x9b: {  	s22 =	simm.s32 $0x1BFF;
	s21 =	sshll.u32 s6, $0x1;
	s3 =	sadd.s32 s4, s19  }
0x9c: {  	s7 =	simm.s32 $0x0;
	s20 =	sshll.u32 s5, $0x1;
	s5 =	sadd.s32 s21, s3  }
0x9d: {  	[timem:s7], [sflag:s22] =	dma.local [hbm:s5], s20  }
0x9e: {  	_ =	swait.ge [sflag:s22], s20  }
0x9f: {  	s4 =	ssub.s32 $0x0, s20;
	[sflag:s22] =	ssyncset.done $0x0  }
0xa0: {  	[sflag:s22] =	ssyncadd.s32 s4;
	_ =	sdelay $0x1  }
0xa1: {  	s23 =	simm.s32 $0x1B8B  }
0xa2: {  	_ =	swait.ge [sflag:s23], $0x1  }
0xa3: {  	[sflag:s23] =	ssyncset.done $0x0  }
0xa4: {  	s25 =	simm.s32 $0x1B8E;
	s24 =	sld [smem:$0x3FFE];
	[sflag:s23] =	ssyncadd.s32 $0xFFFFFFFF  }
0xa5: {  	s26 =	simm.s32 $execute0_lowered;
	[smem:$0x3FD2] =	sst s25  }
0xa6: {  	s5 =	sshll.u32 s26, $0x1;
	_ =	strace $0x80000046;
	[dreg:$0x1] =	wrdreg $0xFFFFFFFF  }
0xa7: {  	s28 =	simm.s32 $_size_execute0_lowered;
	s3 =	sadd.s32 s3, s5;
	[dreg:$0x0] =	wrdreg $0x0  }
0xa8: {  	s5 =	sshll.u32 s28, $0x1;
	[dreg:$0x2] =	wrdreg s3  }
0xa9: {  	[dreg:$0x3] =	wrdreg s5  }
0xaa: {  	[dreg:$0x4] =	wrdreg $0xC0  }
0xab: {  	_ =	task [dreg:s7], $0x5FFFF  }
0xac: {  	[dreg:$0x1] =	wrdreg $0xFFFFFFFF  }
0xad: {  	[dreg:$0x0] =	wrdreg $0x60  }
0xae: {  	[dreg:$0x2] =	wrdreg s2  }
0xaf: {  	[dreg:$0x3] =	wrdreg s24  }
0xb0: {  	[dreg:$0x4] =	wrdreg $0x9  }
0xb1: {  	_ =	task.clear_ibuf [dreg:s7], $0x5FFFF;
	_ =	strace $0x90000046  }
0xb2: {  	s29 =	simm.s32 $0x9;
	_ =	strace $0x80000048  }
0xb3: {  	_ =	swait.ge [sflag:s29], $0x1  }
0xb4: {  	[sflag:s29] =	ssyncadd.s32 $0xFFFFFFFF  }
0xb5: {  	_ =	strace $0x90000048  }
0xb6: {  	_ =	sfence  }
0xb7: {  	s30 =	sld [smem:$0x0];
	_ =	sdelay $0x2  }
0xb8: {  	s31 =	sshll.u32 s1, $0xD;
	s1 =	sshrl.u32 s1, $0x2  }
0xb9: {  	s3 =	sand.u32 $0x4000, s31;
	s1 =	sadd.s32 s1, s30  }
0xba: {  	s0 =	sor.u32 s3, s0;
	s1 =	sshll.u32 s1, $0x11  }
0xbb: {  	s0 =	sor.u32 s1, s0  }
0xbc: {  	s0 =	sadd.s32 $0x8F2B, s0  }
0xbd: {  	[sflag:s0] =	ssyncadd.remote.s32 $0x1  }
0xbe: {  	_ =	sfence.sel $0xFFFF  }
0xbf: {  	[dreg:$0x0] =	wrdreg $0xFFFFFFFF;
	(pc) =	sbr.abs _section_cstart, $3  }
0xc0: {  	[dreg:$0x1] =	wrdreg $0xFFFFFFFF  }
0xc1: {  	_ =	task.clear_ibuf [dreg:s7], $0x2FFFF;
	_ =	strace $0x9FFFFFFF  }
0xc2: {  	(tm) =	ssettm $0x7FFFFFFF  }
0xc3: {  	_ =	shalt  }
tec
execute0_lowered:
.L_overlay_start_1:
0x0: {  	(tag) =	ssettag $0x1  }
0x1: {  	s2 =	rddreg [dreg:$0x0];
	s1 =	srdreg.scid  }
0x2: {  	s0 =	stileid.u32;
	s4 =	rddreg [dreg:$0x1];
	s3 =	simm.s32 $0x0  }
0x3: {  	s13 =	simm.s32 $0x880;
	s14 =	simm.s32 $0x1080;
	s15 =	simm.s32 $0x1880  }
0x4: {  	s16 =	simm.s32 $0x1;
	s17 =	simm.s32 $0x2280;
	s18 =	simm.s32 $0x0  }
0x5: {  	s5 =	sand.u32 $0x1, s1;
	s6 =	sshll.u32 s0, $0x1;
	s1 =	rddreg [dreg:$0x2]  }
0x6: {  	[smem:$0x7FF] =	sst s3;
	s31 =	sshll.u32 s0, $0x6;
	s6 =	sor.u32 s5, s6  }
0x7: {  	_ =	strace $0x80000047;
	s9 =	ssub.s32 $0x2, s5;
	s12 =	sshll.u32 s5, $0x5  }
0x8: {  	s7 =	sshll.u32 s6, $0x2;
	s10 =	sshll.u32 s6, $0xB;
	s11 =	sshrl.u32 s9, $0x1  }
0x9: {  	s8 =	sadd.s32 s7, s4;
	s7 =	sand.u32 $0x40, s7;
	s10 =	sadd.s32 s10, s4  }
0xa: {  	s9 =	ssub.s32 s9, s11;
	s11 =	sor.u32 s12, s31;
	s12 =	simm.s32 $0x80  }
0xb: {  	v2 =	vlaneseq.u32;
	s7 =	sadd.s32 s7, s4;
	s4 =	sshll.u32 s6, $0x5;
	s5 =	sadd.s32 $0x400, s8  }
0xc: {  	vm0 =	vmmov $0xffff;
	v3 =	vimm.s32 $0x0;
	v1 =	vshrl.u32 v2, $0x3;
	s8 =	smax.u32 s9, $0x1;
	s9 =	sand.u32 $0x1E0, s11;
	s11 =	simm.s32 $0x2080  }
0xd: {  	v0 =	vand.u32 $0x7, v2;
	v2 =	vor.u32 $0x8, v2;
	v1 =	vmul.u32 $0x8, v1;
	s6 =	sadd.s32 $0x200, s7;
	s7 =	sadd.s32 $0x600, s10;
	s10 =	simm.s32 $0x2  }
.LBB2_1:
0xe: {  	[tilespmem:s3], [sflag:$0x2] =	stream.linear.gather [hbm4b:s5+s3], $0x20, $0x38;
	[tilespmem:$0x6280] =	vst v63  }
0xf: {  	_ =	swait.ge [sflag:s10], $0x20  }
0x10: {  	[sflag:s10] =	ssyncset.done $0x0  }
0x11: {  	[sflag:s10] =	ssyncadd.s32 $0xFFFFFFE0  }
0x12: {  	[tilespmem:s11], [sflag:$0x2] =	stream.linear.gather [hbm4b:s6+s3], $0x200, $0x38;
	[tilespmem:$0x6280] =	vst v63  }
0x13: {  	_ =	swait.ge [sflag:s10], $0x200  }
0x14: {  	[sflag:s10] =	ssyncset.done $0x0  }
0x15: {  	[sflag:s10] =	ssyncadd.s32 $0xFFFFFE00  }
0x16: {  	v4 =	vld [tilespmem:$0x0];
	_ =	sdelay $0x4  }
0x17: {  	v5 =	vshll.u32 v4, $0x1  }
0x18: {  	v4 =	vand.u32 $0x7, v4;
	v5 =	vand.u32 $0xFFFFFFF0, v5  }
0x19: {  	v4 =	vor.u32 v4, v5  }
0x1a: {  	v5 =	vperm.xlane v4, v0;
	_ =	sdelay $0x1  }
0x1b: {  	v4 =	vperm.xlane v4, v2;
	v5 =	vadd.s32 v1, v5;
	_ =	sdelay $0x1  }
0x1c: {  	v4 =	vadd.s32 v1, v4;
	_ =	sdelay $0x2  }
0x1d: {  	[tilespmem:s12], [sflag:$0x1] =	stream.indirect_vreg.gather [hbm4b:s2+s3], $0x80, v5, vm0, $0xb8;
	[tilespmem:$0x6280] =	vst v63  }
0x1e: {  	_ = 	snop  }
0x1f: {  	[tilespmem:s13], [sflag:$0x1] =	stream.indirect_vreg.gather [hbm4b:s2+s3], $0x80, v4, vm0, $0xb8;
	[tilespmem:$0x6280] =	vst v63  }
0x20: {  	v4 =	vld [tilespmem:$0x10];
	_ =	sdelay $0x4  }
0x21: {  	v5 =	vshll.u32 v4, $0x1  }
0x22: {  	v4 =	vand.u32 $0x7, v4;
	v5 =	vand.u32 $0xFFFFFFF0, v5  }
0x23: {  	v4 =	vor.u32 v4, v5  }
0x24: {  	v5 =	vperm.xlane v4, v0;
	_ =	sdelay $0x1  }
0x25: {  	v4 =	vperm.xlane v4, v2;
	v5 =	vadd.s32 v1, v5;
	_ =	sdelay $0x1  }
0x26: {  	v4 =	vadd.s32 v1, v4;
	_ =	sdelay $0x2  }
0x27: {  	[tilespmem:s14], [sflag:$0x1] =	stream.indirect_vreg.gather [hbm4b:s2+s3], $0x80, v5, vm0, $0xb8;
	[tilespmem:$0x6280] =	vst v63  }
0x28: {  	_ = 	snop  }
0x29: {  	[tilespmem:s15], [sflag:$0x1] =	stream.indirect_vreg.gather [hbm4b:s2+s3], $0x80, v4, vm0, $0xb8;
	[tilespmem:$0x6280] =	vst v63  }
0x2a: {  	_ =	swait.ge [sflag:s16], $0x2000  }
0x2b: {  	[sflag:s16] =	ssyncset.done $0x0  }
0x2c: {  	s19 =	sand.u32 $0x1C0, s3;
	s20 =	simm.s32 $0x10;
	[sflag:s16] =	ssyncadd.s32 $0xFFFFE000  }
0x2d: {  	s21 =	simm.s32 $0x20;
	s22 =	sand.u32 $0x1D0, s20;
	v4 =	vld [tilespmem:s19+$0x2080]  }
0x2e: {  	s24 =	simm.s32 $0x30;
	s23 =	sand.u32 $0x1E0, s21;
	v5 =	vld [tilespmem:s22+$0x2080]  }
0x2f: {  	s25 =	simm.s32 $0x0;
	s26 =	simm.s32 $0x40;
	v6 =	vld [tilespmem:s23+$0x2080];
	s19 =	sand.u32 $0x1F0, s24  }
0x30: {  	v7 =	vmov s25;
	v8 =	vld [tilespmem:s19+$0x2080];
	s19 =	sand.u32 $0x1C0, s26  }
0x31: {  	v9 =	vshll.u32 v7, $0x8;
	v7 =	vshll.u32 v7, $0x7;
	v13 =	vld [tilespmem:s19+$0x2080]  }
0x32: {  	v9 =	vand.u32 $0x1800, v9;
	v7 =	vand.u32 $0x380, v7;
	v10 =	vand.u32 $0x7F, v4  }
0x33: {  	s28 =	simm.s32 $0x50;
	v4 =	vshll.u32 v4, $0x3;
	v11 =	vand.u32 $0x7F, v5;
	v5 =	vshll.u32 v5, $0x3  }
0x34: {  	s29 =	sand.u32 $0x1D0, s28;
	v12 =	vshll.u32 v6, $0x3;
	v6 =	vand.u32 $0x7F, v6;
	v4 =	vand.u32 $0xFFFFFC00, v4  }
0x35: {  	s30 =	simm.s32 $0x60;
	v14 =	vld [tilespmem:s29+$0x2080];
	v5 =	vand.u32 $0xFFFFFC00, v5;
	v12 =	vand.u32 $0xFFFFFC00, v12;
	v4 =	vadd.s32 v9, v4  }
0x36: {  	s31 =	sand.u32 $0x1E0, s30;
	v5 =	vadd.s32 v9, v5;
	v17 =	vand.u32 $0x7F, v13;
	v4 =	vor.u32 v10, v4  }
0x37: {  	s21 =	simm.s32 $0x0;
	v16 =	vld [tilespmem:s31+$0x2080];
	v13 =	vshll.u32 v13, $0x3;
	v5 =	vor.u32 v11, v5;
	v4 =	vor.u32 v7, v4  }
0x38: {  	s24 =	simm.s32 $0x90;
	v10 =	vshll.u32 v8, $0x3;
	v11 =	vmov s21;
	v5 =	vor.u32 v7, v5  }
0x39: {  	s22 =	simm.s32 $0x70;
	s25 =	sand.u32 $0x1D0, s24;
	v8 =	vand.u32 $0x7F, v8;
	v13 =	vand.u32 $0xFFFFFC00, v13;
	v15 =	vshll.u32 v11, $0x8  }
0x3a: {  	s19 =	sand.u32 $0x1F0, s22;
	v21 =	vld [tilespmem:s25+$0x2080];
	v22 =	vand.u32 $0x1800, v15;
	v15 =	vand.u32 $0x7F, v14;
	v14 =	vshll.u32 v14, $0x3  }
0x3b: {  	v18 =	vld [tilespmem:s19+$0x2080];
	v10 =	vand.u32 $0xFFFFFC00, v10;
	v11 =	vshll.u32 v11, $0x7;
	v14 =	vand.u32 $0xFFFFFC00, v14  }
0x3c: {  	v19 =	vld.idx.msk [tilespmem:v4+s12+$0x0], $0xffff;
	v4 =	vadd.s32 v9, v10;
	v10 =	vshll.u32 v16, $0x3;
	v9 =	vadd.s32 v9, v12  }
0x3d: {  	s23 =	simm.s32 $0x80;
	v12 =	vld.idx.msk [tilespmem:v5+s12+$0x0], $0xffff;
	v5 =	vadd.s32 v22, v13;
	v6 =	vor.u32 v6, v9;
	v4 =	vor.u32 v8, v4  }
0x3e: {  	s26 =	simm.s32 $0xB0;
	s19 =	sand.u32 $0x1C0, s23;
	v9 =	vadd.s32 v22, v14;
	v5 =	vor.u32 v17, v5;
	v13 =	vor.u32 v7, v6  }
0x3f: {  	s28 =	simm.s32 $0xA0;
	s29 =	sand.u32 $0x1F0, s26;
	v8 =	vld [tilespmem:s19+$0x2080];
	v25 =	vand.u32 $0xFFFFFC00, v10;
	v20 =	vor.u32 v7, v4;
	v4 =	vand.u32 $0x380, v11  }
0x40: {  	s30 =	sand.u32 $0x1E0, s28;
	s31 =	simm.s32 $0x0;
	v7 =	vor.u32 v15, v9;
	v11 =	vshll.u32 v18, $0x3;
	v6 =	vld [tilespmem:s29+$0x2080];
	v17 =	vor.u32 v4, v5  }
0x41: {  	v9 =	vld [tilespmem:s30+$0x2080];
	v15 =	vand.u32 $0x7F, v18;
	v23 =	vor.u32 v4, v7;
	v5 =	vmov s31  }
0x42: {  	v18 =	vand.u32 $0x7F, v16;
	v16 =	vand.u32 $0x7F, v21;
	v7 =	vshll.u32 v5, $0x8  }
0x43: {  	v24 =	vand.u32 $0xFFFFFC00, v11;
	v11 =	vshll.u32 v5, $0x7;
	v5 =	vand.u32 $0x1800, v7;
	v7 =	vld.idx.msk [tilespmem:v13+s12+$0x0], $0xffff  }
0x44: {  	s19 =	simm.s32 $0x22A0;
	v14 =	vand.u32 $0x7F, v8;
	v8 =	vshll.u32 v8, $0x3;
	v13 =	vshll.u32 v21, $0x3;
	v10 =	vld.idx.msk [tilespmem:v20+s12+$0x0], $0xffff  }
0x45: {  	[tilespmem:s19+$0xFFFFFFE0] =	vst v19;
	v20 =	vand.u32 $0xFFFFFC00, v8;
	v21 =	vadd.s32 v22, v24;
	v22 =	vadd.s32 v22, v25;
	v8 =	vld.idx.msk [tilespmem:v17+s12+$0x0], $0xffff  }
0x46: {  	s20 =	simm.s32 $0x22E0;
	s22 =	simm.s32 $0xC0;
	s21 =	simm.s32 $0x8;
	[tilespmem:s19+$0xFFFFFFF0] =	vst v12;
	v19 =	vand.u32 $0xFFFFFC00, v13;
	v13 =	vshll.u32 v9, $0x3;
	v17 =	vshll.u32 v6, $0x3;
	v12 =	vld.idx.msk [tilespmem:v23+s12+$0x0], $0xffff  }
.LBB2_2:
0x47: {  	s23 =	sand.u32 $0x1C0, s22;
	s24 =	sadd.s32 $0x10, s22;
	s25 =	sadd.s32 $0x20, s22;
	v20 =	vadd.s32 v5, v20;
	v18 =	vor.u32 v18, v22;
	v15 =	vor.u32 v15, v21  }
0x48: {  	v19 =	vadd.s32 v5, v19;
	v21 =	vld [tilespmem:s23+$0x2080];
	s23 =	sand.u32 $0x1D0, s24;
	s24 =	sand.u32 $0x1E0, s25;
	s25 =	sadd.s32 $0x30, s22;
	v22 =	vor.u32 v4, v18;
	v23 =	vor.u32 v4, v15  }
0x49: {  	s21 =	sadd.s32 $0x4, s21;
	v4 =	vand.u32 $0x380, v11;
	v11 =	vor.u32 v14, v20;
	v14 =	vor.u32 v16, v19;
	v24 =	vld [tilespmem:s23+$0x2080];
	s23 =	sand.u32 $0x1F0, s25;
	[tilespmem:s19+$0x0] =	vst v7  }
0x4a: {  	p0 =	slt.u32 s21, $0x3FC;
	s25 =	sshrl.u32 s21, $0x5;
	v26 =	vor.u32 v4, v11;
	v27 =	vor.u32 v4, v14;
	v25 =	vld [tilespmem:s23+$0x2080];
	[tilespmem:s19+$0x10] =	vst v10;
	s19 =	smov.u32 s20  }
0x4b: {  	v15 =	vand.u32 $0x7F, v6;
	v6 =	vand.u32 $0xFFFFFC00, v17;
	v7 =	vmov s25;
	v28 =	vld [tilespmem:s24+$0x2080];
	[tilespmem:s20+$0xFFFFFFE0] =	vst v8  }
.Ltmp0:
0x4c: {  	v18 =	vand.u32 $0x7F, v9;
	v8 =	vshll.u32 v7, $0x8;
	v11 =	vshll.u32 v7, $0x7;
	[tilespmem:s20+$0xFFFFFFF0] =	vst v12;
	(pc) =	sbr.rel @p0 .LBB2_2-.Ltmp0, $4  }
0x4d: {  	v29 =	vand.u32 $0x1800, v8;
	v14 =	vand.u32 $0x7F, v21;
	v8 =	vshll.u32 v21, $0x3;
	v7 =	vld.idx.msk [tilespmem:v22+s12+$0x0], $0xffff  }
0x4e: {  	v22 =	vand.u32 $0xFFFFFC00, v13;
	v16 =	vand.u32 $0x7F, v24;
	v24 =	vshll.u32 v24, $0x3;
	v10 =	vld.idx.msk [tilespmem:v23+s12+$0x0], $0xffff  }
0x4f: {  	v21 =	vadd.s32 v5, v6;
	v20 =	vand.u32 $0xFFFFFC00, v8;
	v19 =	vand.u32 $0xFFFFFC00, v24;
	v8 =	vld.idx.msk [tilespmem:v26+s12+$0x0], $0xffff;
	v6 =	vmovc v25  }
0x50: {  	s22 =	sadd.s32 $0x40, s22;
	s20 =	sadd.s32 $0x40, s20;
	v22 =	vadd.s32 v5, v22;
	v5 =	vmovc v29;
	v13 =	vshll.u32 v28, $0x3;
	v17 =	vshll.u32 v6, $0x3;
	v12 =	vld.idx.msk [tilespmem:v27+s12+$0x0], $0xffff;
	v9 =	vmovc v28  }
0x51: {  	v20 =	vadd.s32 v5, v20;
	v18 =	vor.u32 v18, v22;
	v15 =	vor.u32 v15, v21  }
0x52: {  	v19 =	vadd.s32 v5, v19;
	v11 =	vand.u32 $0x380, v11;
	v13 =	vand.u32 $0xFFFFFC00, v13  }
0x53: {  	v62 =	vand.u32 $0xFFFFFC00, v17;
	v9 =	vand.u32 $0x7F, v9;
	v18 =	vor.u32 v4, v18  }
0x54: {  	v6 =	vand.u32 $0x7F, v6;
	v4 =	vor.u32 v4, v15;
	v14 =	vor.u32 v14, v20  }
0x55: {  	v61 =	vor.u32 v16, v19;
	v13 =	vadd.s32 v5, v13;
	v14 =	vor.u32 v11, v14  }
0x56: {  	v5 =	vadd.s32 v5, v62;
	v15 =	vor.u32 v11, v61;
	v9 =	vor.u32 v9, v13  }
0x57: {  	v5 =	vor.u32 v6, v5;
	v6 =	vor.u32 v11, v9  }
0x58: {  	v5 =	vor.u32 v11, v5;
	v63 =	vld.idx.msk [tilespmem:v18+s12+$0x0], $0xffff  }
0x59: {  	[tilespmem:s19+$0x0] =	vst v7;
	v4 =	vld.idx.msk [tilespmem:v4+s12+$0x0], $0xffff  }
0x5a: {  	[tilespmem:s19+$0x10] =	vst v10;
	v7 =	vld.idx.msk [tilespmem:v14+s12+$0x0], $0xffff  }
0x5b: {  	[tilespmem:s20+$0xFFFFFFE0] =	vst v8;
	v8 =	vld.idx.msk [tilespmem:v15+s12+$0x0], $0xffff  }
0x5c: {  	[tilespmem:s20+$0xFFFFFFF0] =	vst v12;
	v6 =	vld.idx.msk [tilespmem:v6+s12+$0x0], $0xffff  }
0x5d: {  	p1 =	por $0x1, $0x1;
	v5 =	vld.idx.msk [tilespmem:v5+s12+$0x0], $0xffff;
	[tilespmem:s20+$0x0] =	vst v63  }
.Ltmp1:
0x5e: {  	s30 =	sadd.s32 $0x40, s20;
	[tilespmem:s20+$0x10] =	vst v4;
	(pc) =	sbr.rel @!p1 .LBB2_4-.Ltmp1, $4  }
0x5f: {  	[tilespmem:s30+$0xFFFFFFE0] =	vst v7  }
0x60: {  	[tilespmem:s30+$0xFFFFFFF0] =	vst v8  }
0x61: {  	s31 =	simm.s32 $0x200;
	v4 =	vmov s9;
	[tilespmem:s30+$0x0] =	vst v6  }
0x62: {  	s22 =	simm.s32 $0x1;
	p0 =	por $0x0, $0x0;
	s23 =	sor.u32 s31, s4;
	[tilespmem:s30+$0x10] =	vst v5;
	v6 =	vand.u32 $0xFFFFFDFE, v4  }
0x63: {  	p1 =	por $0x1, $0x1  }
.Ltmp2:
0x64: {  	v4 =	vbroadcast v6, $0x0;
	(pc) =	sbr.rel @!p1 .LBB2_7-.Ltmp2, $4  }
0x65: {  	s22 =	sor.u32 s22, s23  }
0x66: {  	s20 =	sadd.s32 $0x402, s9;
	v5 =	vmov s22  }
0x67: {  	s19 =	simm.s32 $0x2;
	s21 =	simm.s32 $0x600;
	v6 =	vmov s20  }
0x68: {  	p0 =	por $0x1, $0x1;
	s22 =	simm.s32 $0x3;
	s23 =	sor.u32 s21, s4;
	v6 =	vand.u32 $0xFFFFFDFE, v6  }
.LBB2_6:
0x69: {  	s22 =	sor.u32 s22, s23;
	s23 =	smov.u32 s19;
	s19 =	sadd.s32 $0x2, s19  }
0x6a: {  	[tilespmem:v4+s17+$0x0] =	vst.idx.msk $0x1, v3;
	v4 =	vbroadcast v6, $0x0;
	p1 =	slt.u32 s19, $0x1E  }
.Ltmp3:
0x6b: {  	[tilespmem:v5+s17+$0x0] =	vst.idx.msk $0x1, v3;
	v5 =	vmov s22;
	(pc) =	sbr.rel @p1 .LBB2_6-.Ltmp3, $4  }
0x6c: {  	_ = 	snop  }
0x6d: {  	s20 =	sadd.s32 $0x402, s20  }
0x6e: {  	s21 =	sadd.s32 $0x400, s21;
	v6 =	vmov s20  }
0x6f: {  	s22 =	sadd.s32 $0x3, s23;
	s23 =	sor.u32 s21, s4;
	v6 =	vand.u32 $0xFFFFFDFE, v6  }
.LBB2_7:
0x70: {  	v6 =	vbroadcast v6, $0x0  }
0x71: {  	s19 =	sor.u32 s22, s23  }
0x72: {  	v7 =	vmov s19;
	_ =	sdelay $0x1  }
0x73: {  	[tilespmem:v4+s17+$0x0] =	vst.idx.msk @p0 $0x1, v3  }
0x74: {  	[tilespmem:v5+s17+$0x0] =	vst.idx.msk @p0 $0x1, v3  }
0x75: {  	s18 =	sadd.s32 $0x1, s18;
	[tilespmem:v6+s17+$0x0] =	vst.idx.msk $0x1, v3  }
0x76: {  	p0 =	sne.s32 s18, s8;
	[tilespmem:v7+s17+$0x0] =	vst.idx.msk $0x1, v3  }
0x77: {  	[hbm4b:s7+s3] =	stream.linear.scatter [tilespmem:s17], [sflag:$0x2], $0x4000, $0x38;
	[tilespmem:$0x6280] =	vst v63  }
.Ltmp4:
0x78: {  	_ = 	snop;
	(pc) =	sbr.rel @p0 .LBB2_1-.Ltmp4, $4  }
.Ltmp5:
0x79: {  	_ = 	snop;
	(pc) =	sbr.rel @!p0 .LBB2_8-.Ltmp5, $4  }
0x7a: {  	_ =	swait.ge [sflag:s10], $0x4000  }
0x7b: {  	[sflag:s10] =	ssyncset.done $0x0  }
0x7c: {  	[sflag:s10] =	ssyncadd.s32 $0xFFFFC000  }
0x7d: {  	_ = 	snop  }
.LBB2_4:
.Ltmp6:
0x7e: {  	(pc) =	sbr.rel .LBB2_7-.Ltmp6, $2  }
0x7f: {  	_ =	sdelay $0x2  }
0x80: {  	_ = 	snop  }
.LBB2_8:
0x81: {  	_ =	sfence.sel $0x180000  }
0x82: {  	[bflag:$0x0] =	sbarrier.arrive $0xFFFF  }
0x83: {  	p0 =	sne.s32 s0, $0x0;
	_ =	strace $0x90000047  }
0x84: {  	s0 =	sadd.s32 @!p0 $0x100000, s1;
	[bflag:$0x2] =	sbarrier.arrive $0xFFFF  }
0x85: {  	[sflag:s0] =	ssyncadd.tile.s32 @!p0 $0x1;
	_ =	shalt  }
.Lfunc_end2:
_tile_overlayer_lowered:
.L_overlay_start_2:
0x86: {  	(tag) =	ssettag $0x2  }
0x87: {  	s0 =	rddreg [dreg:$0x0];
	s2 =	stileid.u32  }
0x88: {  	s1 =	rddreg [dreg:$0x1];
	p0 =	sne.s32 s2, $0x0  }
0x89: {  	s3 =	rddreg [dreg:$0x2];
	[bflag:$0x3] =	sbarrier.arrive $0xFFFF;
	s2 =	simm.s32 @!p0 $0x1C02  }
0x8a: {  	[timem:s3], [sflag:s2] =	dma.local @!p0 [hbm:s0], s1  }
0x8b: {  	s0 =	simm.s32 @!p0 $0x2  }
0x8c: {  	_ =	swait.ge @!p0 [sflag:s0], s1  }
0x8d: {  	s1 =	ssub.s32 @!p0 $0x0, s1;
	[sflag:s0] =	ssyncset.done @!p0 $0x0  }
0x8e: {  	[sflag:s0] =	ssyncadd.s32 @!p0 s1  }
0x8f: {  	[bflag:$0x3] =	sbarrier.arrive $0xFFFF  }
0x90: {  	_ =	shalt  }

</sc_bundles>
